<compile_context>
chip_gen: v7x
topology: tpu7x:2x2x1
jax: 0.10.2.dev20260603
libtpu: 0.0.44.dev20260713+nightly
codegen_flags: <defaults>
</compile_context>

<pallas_src>
import functools

import jax
import jax.numpy as jnp
import numpy as np
from jax import lax
from jax.experimental import pallas as pl
from jax.experimental.pallas import tpu as pltpu
from jax.experimental.pallas import tpu_sc as plsc

_ROWS = 4096
_COLS = 8192
_SAMPLES = 32
_TOTAL = _ROWS * _SAMPLES

_NUM_CORES = 2
_NUM_SUBCORES = 16
_NW = _NUM_CORES * _NUM_SUBCORES
_CHUNK = _TOTAL // _NW

_FLAT_IDX = (256 * np.arange(_TOTAL, dtype=np.int64) + 128).astype(np.int32)

_mesh = plsc.VectorSubcoreMesh(core_axis_name="c", subcore_axis_name="s")


@functools.partial(
    pl.kernel,
    mesh=_mesh,
    out_type=jax.ShapeDtypeStruct((_TOTAL,), jnp.float32),
    scratch_types=[
        pltpu.VMEM((_CHUNK,), jnp.int32),
        pltpu.VMEM((_CHUNK,), jnp.float32),
        pltpu.SemaphoreType.DMA,
    ],
)
def _sc_gather(x_hbm, idx_hbm, out_hbm, idx_v, vals_v, sem):
    wid = lax.axis_index("s") * _NUM_CORES + lax.axis_index("c")
    base = wid * _CHUNK
    pltpu.sync_copy(idx_hbm.at[pl.ds(base, _CHUNK)], idx_v)
    pltpu.async_copy(x_hbm.at[idx_v], vals_v, sem).wait()
    pltpu.sync_copy(vals_v, out_hbm.at[pl.ds(base, _CHUNK)])


def kernel(x):
    flat = x.reshape(-1)
    idx = jnp.asarray(_FLAT_IDX)
    out = _sc_gather(flat, idx)
    return out.reshape(_ROWS, _SAMPLES)

# --- scband reference (transcript-rebuilt; emitter-appended) ---
"""Pipeline reference for scband-qo-isampling1d-36507222016359 (READ-ONLY COPY).

The authoritative reference and input builder live on the scoring server;
editing this copy changes nothing except your own understanding.
"""

import jax, jax.numpy as jnp
import numpy as np

# sample_points from init_kwargs: (i + 0.5) / 32 for i in 0..31 (exact binary fractions)
SAMPLE_POINTS = (np.arange(32, dtype=np.float64) + 0.5) / 32.0


def setup_inputs(seed: int = 0) -> dict:
    key = jax.random.key(seed)
    x = jax.random.normal(key, (4096, 8192), dtype=jnp.float32)
    return {"x": x}


def reference(x):
    # Faithful translation of QoISampling1d.forward:
    #   n = x.shape[-1]; idxs = floor(n * sample_points); return x[..., idxs]
    n = x.shape[-1]
    idxs = jnp.asarray(np.floor(n * SAMPLE_POINTS).astype(np.int64))
    return jnp.take(x, idxs, axis=-1)

if __name__ == "__main__":
    import jax
    _d = setup_inputs()
    print(jax.jit(kernel)(*tuple(_d.values())))

</pallas_src>

<mosaic_0001>
#map = affine_map<(d0, d1) -> (0)>
module attributes {stable_mosaic.version = 14 : i64} {
  func.func @_sc_gather(%arg0: i32, %arg1: i32, %arg2: memref<33554432xf32, #tpu.memory_space<hbm>>, %arg3: memref<131072xi32, #tpu.memory_space<hbm>>, %arg4: memref<131072xf32, #tpu.memory_space<hbm>>, %arg5: memref<4096xi32, #tpu.memory_space<vmem>>, %arg6: memref<4096xf32, #tpu.memory_space<vmem>>, %arg7: memref<!tpu.dma_semaphore, #tpu.memory_space<semaphore_mem>>) attributes {dimension_semantics = [#tpu.dimension_semantics<core_parallel>, #tpu.dimension_semantics<subcore_parallel>], iteration_bounds = array<i64: 2, 16>, scalar_prefetch = 0 : i64, scratch_operands = 3 : i64, tpu.core_type = #tpu.core_type<sc_vector_subcore>, window_params = [{transform_indices = #map}, {transform_indices = #map}, {transform_indices = #map}]} {
    %mul3A = arith.constant 2 : i32
    %mul3A_0 = arith.muli %arg1, %mul3A : i32
    %add3A = arith.addi %mul3A_0, %arg0 : i32
    %mul3A_1 = arith.constant 4096 : i32
    %mul3A_2 = arith.muli %add3A, %mul3A_1 : i32
    "tpu.region"() ({
      %run_scoped3A = tpu.sem_alloc : memref<!tpu.dma_semaphore, #tpu.memory_space<semaphore_mem>>
      %dma_start3A_5 = tpu.memref_slice %arg3[%mul3A_2] : memref<131072xi32, #tpu.memory_space<hbm>> -> memref<4096xi32, #tpu.memory_space<hbm>>
      %dma_start3A_6 = tpu.memref_slice %arg3[%mul3A_2] : memref<131072xi32, #tpu.memory_space<hbm>> -> memref<4096xi32, #tpu.memory_space<hbm>>
      tpu.enqueue_dma source(%dma_start3A_6 : memref<4096xi32, #tpu.memory_space<hbm>>) target(%arg5 : memref<4096xi32, #tpu.memory_space<vmem>>) target_semaphore(%run_scoped3A : memref<!tpu.dma_semaphore, #tpu.memory_space<semaphore_mem>>)
      %dma_wait3A_7 = tpu.memref_slice %arg3[%mul3A_2] : memref<131072xi32, #tpu.memory_space<hbm>> -> memref<4096xi32, #tpu.memory_space<hbm>>
      %dma_wait3A_8 = tpu.memref_slice %arg3[%mul3A_2] : memref<131072xi32, #tpu.memory_space<hbm>> -> memref<4096xi32, #tpu.memory_space<hbm>>
      tpu.wait_dma2 semaphore(%run_scoped3A : memref<!tpu.dma_semaphore, #tpu.memory_space<semaphore_mem>>) src(%dma_wait3A_8 : memref<4096xi32, #tpu.memory_space<hbm>>) dst(%arg5 : memref<4096xi32, #tpu.memory_space<vmem>>)
      tpu.yield
    }) : () -> ()
    %dma_start3A = arith.constant 0 : i32
    %dma_start3A_3 = tpu.memref_slice %arg2[%dma_start3A] : memref<33554432xf32, #tpu.memory_space<hbm>> -> memref<33554432xf32, #tpu.memory_space<hbm>>
    tpu.enqueue_indirect_dma source(%dma_start3A_3 : memref<33554432xf32, #tpu.memory_space<hbm>>) target(%arg6 : memref<4096xf32, #tpu.memory_space<vmem>>) offsets(%arg5 : memref<4096xi32, #tpu.memory_space<vmem>>) semaphore(%arg7 : memref<!tpu.dma_semaphore, #tpu.memory_space<semaphore_mem>>)
    %dma_wait3A = arith.constant 0 : i32
    %dma_wait3A_4 = tpu.memref_slice %arg2[%dma_wait3A] : memref<33554432xf32, #tpu.memory_space<hbm>> -> memref<33554432xf32, #tpu.memory_space<hbm>>
    tpu.wait_indirect_dma semaphore(%arg7 : memref<!tpu.dma_semaphore, #tpu.memory_space<semaphore_mem>>) src(%dma_wait3A_4 : memref<33554432xf32, #tpu.memory_space<hbm>>) dst(%arg6 : memref<4096xf32, #tpu.memory_space<vmem>>)
    "tpu.region"() ({
      %run_scoped3A = tpu.sem_alloc : memref<!tpu.dma_semaphore, #tpu.memory_space<semaphore_mem>>
      %dma_start3A_5 = tpu.memref_slice %arg4[%mul3A_2] : memref<131072xf32, #tpu.memory_space<hbm>> -> memref<4096xf32, #tpu.memory_space<hbm>>
      %dma_start3A_6 = tpu.memref_slice %arg4[%mul3A_2] : memref<131072xf32, #tpu.memory_space<hbm>> -> memref<4096xf32, #tpu.memory_space<hbm>>
      tpu.enqueue_dma source(%arg6 : memref<4096xf32, #tpu.memory_space<vmem>>) target(%dma_start3A_6 : memref<4096xf32, #tpu.memory_space<hbm>>) target_semaphore(%run_scoped3A : memref<!tpu.dma_semaphore, #tpu.memory_space<semaphore_mem>>)
      %dma_wait3A_7 = tpu.memref_slice %arg4[%mul3A_2] : memref<131072xf32, #tpu.memory_space<hbm>> -> memref<4096xf32, #tpu.memory_space<hbm>>
      %dma_wait3A_8 = tpu.memref_slice %arg4[%mul3A_2] : memref<131072xf32, #tpu.memory_space<hbm>> -> memref<4096xf32, #tpu.memory_space<hbm>>
      tpu.wait_dma2 semaphore(%run_scoped3A : memref<!tpu.dma_semaphore, #tpu.memory_space<semaphore_mem>>) src(%arg6 : memref<4096xf32, #tpu.memory_space<vmem>>) dst(%dma_wait3A_8 : memref<4096xf32, #tpu.memory_space<hbm>>)
      tpu.yield
    }) : () -> ()
    return
  }
}

</mosaic_0001>

<sc_bundles>
// kernel: kernel.3.cloned.1.call-start
scs
__scs_entry_jumppad:
0x0: {  	(pc) =	sbr.rel $0x88, $3  }
0x1: {  	(tag) =	ssettag $0x0;
	lr =	simm.s32 $0x1  }
0x2: {  	[smem:$0x3FA0] =	sst lr;
	_ =	strace $0xD0000000  }
0x3: {  	_ = 	snop  }
0x4: {  	_ = 	snop  }
0x5: {  	_ = 	snop  }
0x6: {  	_ = 	snop  }
0x7: {  	_ = 	snop  }
__scs_overlays_trampoline_lowered:
0x8: {  	[smem:$0x3FAF] =	sst s0  }
0x9: {  	[smem:$0x3FB0] =	sst s1  }
0xa: {  	[smem:$0x3FB1] =	sst s2  }
0xb: {  	[smem:$0x3FB2] =	sst s3  }
0xc: {  	[smem:$0x3FB3] =	sst s4  }
0xd: {  	[smem:$0x3FB4] =	sst s5  }
0xe: {  	[smem:$0x3FB5] =	sst s6  }
0xf: {  	[smem:$0x3FB6] =	sst s7  }
0x10: {  	[smem:$0x3FB7] =	sst s8  }
0x11: {  	[smem:$0x3FB8] =	sst s9;
	s0 =	simm.s32 @!p0 $0x0  }
0x12: {  	s1 =	sld [smem:$0x3F9E];
	s0 =	simm.s32 @p0 $0x1  }
0x13: {  	[smem:$0x3FB9] =	sst s0;
	s0 =	simm.s32 @!p1 $0x0  }
0x14: {  	s2 =	sld [smem:$0x3F9D];
	s0 =	simm.s32 @p1 $0x1  }
0x15: {  	[smem:$0x3FBA] =	sst s0;
	s0 =	simm.s32 @!p2 $0x0  }
0x16: {  	s3 =	sld [smem:$0x3FDB];
	s0 =	simm.s32 @p2 $0x1  }
0x17: {  	s4 =	simm.s32 $0x1BF5;
	[smem:$0x3FBC] =	sst s0  }
0x18: {  	s0 =	sld [smem:$0x3F9F];
	_ =	swait.ge [sflag:s4], $0x0  }
0x19: {  	s7 =	sld [smem:$0x3FA0]  }
0x1a: {  	s8 =	sadd.s32 $0xFFFFE003, lr  }
0x1b: {  	s9 =	sadd.s32 $0xFFFFFEF7, lr;
	s5 =	simm.s32 $0xFFFFFFFF;
	p2 =	slt.u32 s8, $0xFFFFF086  }
0x1c: {  	p1 =	slt.u32 s9, $0xF7A;
	s5 =	simm.s32 @!p2 $0x0  }
0x1d: {  	s5 =	simm.s32 @p1 $0x1;
	p0 =	seq.s32 s7, s2  }
0x1e: {  	s7 =	smul.u32 @!p0 $0xF7A, s2;
	p2 =	seq.s32 @!p0 s5, $0x0  }
0x1f: {  	s9 =	smul.u32 $0xF7A, s1;
	s8 =	simm.s32 @!p0 $0x1BF5;
	p2 =	por !p2, p0  }
0x20: {  	[sflag:s8] =	ssyncset.s32 @!p0 $0xFFFFF086;
	s6 =	sadd.s32 @!p0 s3, s7;
	s7 =	simm.s32 @!p0 $0x108  }
0x21: {  	s3 =	sadd.s32 s3, s9;
	s6 =	sadd.s32 @!p0 $0x88, s6;
	s7 =	simm.s32 @p2 $0x1082  }
0x22: {  	[simem:s7], [sflag:s8] =	dma.local @!p0 [hbm:s6], $0xF7A  }
0x23: {  	s9 =	sor.u32 $0xD0000000, s2;
	s6 =	simm.s32 $0x108;
	_ =	swait.ge @!p0 [sflag:s8], $0x0  }
0x24: {  	s3 =	sadd.s32 $0x88, s3;
	s6 =	simm.s32 @!p1 $0x1082;
	[sflag:s4] =	ssyncset.s32 $0xFFFFF086  }
0x25: {  	[simem:s6], [sflag:s4] =	dma.local [hbm:s3], $0xF7A  }
0x26: {  	[smem:$0x3FA0] =	sst s1;
	(tag) =	ssettag s2;
	_ =	strace s9  }
0x27: {  	s1 =	sld [smem:$0x3FB0]  }
0x28: {  	s2 =	sld [smem:$0x3FB1]  }
0x29: {  	s4 =	sld [smem:$0x3FB3]  }
0x2a: {  	p0 =	seq.s32 s5, $0x0;
	s5 =	sld [smem:$0x3FB4]  }
0x2b: {  	s6 =	sld [smem:$0x3FB5]  }
0x2c: {  	s7 =	sld [smem:$0x3FB6]  }
0x2d: {  	s3 =	simm.s32 $0x108;
	s8 =	sld [smem:$0x3FB7]  }
0x2e: {  	s3 =	simm.s32 @!p0 $0x1082;
	s9 =	sld [smem:$0x3FB8]  }
0x2f: {  	lr =	sadd.s32 s0, s3;
	s0 =	sld [smem:$0x3FAF]  }
0x30: {  	s3 =	sld [smem:$0x3FB2]  }
0x31: {  	[smem:$0x3FBB] =	sst s10  }
0x32: {  	s10 =	sld [smem:$0x3FB9];
	_ =	sdelay $0x3  }
0x33: {  	p0 =	seq.s32 s10, $0x1;
	s10 =	sld [smem:$0x3FBB];
	_ =	sdelay $0x3  }
0x34: {  	[smem:$0x3FBB] =	sst s10  }
0x35: {  	s10 =	sld [smem:$0x3FBA];
	_ =	sdelay $0x3  }
0x36: {  	p1 =	seq.s32 s10, $0x1;
	s10 =	sld [smem:$0x3FBB];
	_ =	sdelay $0x3  }
0x37: {  	[smem:$0x3FBB] =	sst s10  }
0x38: {  	s10 =	sld [smem:$0x3FBC]  }
0x39: {  	_ = 	snop;
	(pc) =	sbr.ind lr, $3  }
0x3a: {  	_ = 	snop  }
0x3b: {  	_ = 	snop  }
0x3c: {  	p2 =	seq.s32 s10, $0x1;
	s10 =	sld [smem:$0x3FBB]  }
0x3d: {  	_ =	shalt  }
0x3e: {  	_ =	shalt  }
0x3f: {  	_ =	shalt  }
0x40: {  	_ =	shalt  }
0x41: {  	_ =	shalt  }
0x42: {  	_ =	shalt  }
0x43: {  	_ =	shalt  }
0x44: {  	_ =	shalt  }
0x45: {  	_ =	shalt  }
0x46: {  	_ =	shalt  }
0x47: {  	_ =	shalt  }
0x48: {  	_ =	shalt  }
0x49: {  	_ =	shalt  }
0x4a: {  	_ =	shalt  }
0x4b: {  	_ =	shalt  }
0x4c: {  	_ =	shalt  }
0x4d: {  	_ =	shalt  }
0x4e: {  	_ =	shalt  }
0x4f: {  	_ =	shalt  }
0x50: {  	_ =	shalt  }
0x51: {  	_ =	shalt  }
0x52: {  	_ =	shalt  }
0x53: {  	_ =	shalt  }
0x54: {  	_ =	shalt  }
0x55: {  	_ =	shalt  }
0x56: {  	_ =	shalt  }
0x57: {  	_ =	shalt  }
0x58: {  	_ =	shalt  }
0x59: {  	_ =	shalt  }
0x5a: {  	_ =	shalt  }
0x5b: {  	_ =	shalt  }
0x5c: {  	_ =	shalt  }
0x5d: {  	_ =	shalt  }
0x5e: {  	_ =	shalt  }
0x5f: {  	_ =	shalt  }
0x60: {  	_ =	shalt  }
0x61: {  	_ =	shalt  }
0x62: {  	_ =	shalt  }
0x63: {  	_ =	shalt  }
0x64: {  	_ =	shalt  }
0x65: {  	_ =	shalt  }
0x66: {  	_ =	shalt  }
0x67: {  	_ =	shalt  }
0x68: {  	_ =	shalt  }
0x69: {  	_ =	shalt  }
0x6a: {  	_ =	shalt  }
0x6b: {  	_ =	shalt  }
0x6c: {  	_ =	shalt  }
0x6d: {  	_ =	shalt  }
0x6e: {  	_ =	shalt  }
0x6f: {  	_ =	shalt  }
0x70: {  	_ =	shalt  }
0x71: {  	_ =	shalt  }
0x72: {  	_ =	shalt  }
0x73: {  	_ =	shalt  }
0x74: {  	_ =	shalt  }
0x75: {  	_ =	shalt  }
0x76: {  	_ =	shalt  }
0x77: {  	_ =	shalt  }
0x78: {  	_ =	shalt  }
0x79: {  	_ =	shalt  }
0x7a: {  	_ =	shalt  }
0x7b: {  	_ =	shalt  }
0x7c: {  	_ =	shalt  }
0x7d: {  	_ =	shalt  }
0x7e: {  	_ =	shalt  }
0x7f: {  	_ =	shalt  }
0x80: {  	_ =	shalt  }
0x81: {  	_ =	shalt  }
0x82: {  	_ =	shalt  }
0x83: {  	_ =	shalt  }
0x84: {  	_ =	shalt  }
0x85: {  	_ =	shalt  }
0x86: {  	_ =	shalt  }
0x87: {  	_ =	shalt  }
.Lfunc_end0:
.L_simem_size_0:
called_computation.1_lowered:
.L_overlay_start_0:
0x88: {  	s2 =	sld [smem:$0x3FD9]  }
0x89: {  	s3 =	sld [smem:$0x3FFE];
	_ =	sdelay $0x1  }
0x8a: {  	s1 =	srdreg.scid  }
0x8b: {  	s0 =	sand.u32 $0x1, s1  }
0x8c: {  	s17 =	sshll.u32 s0, $0xA;
	s2 =	sadd.s32 s3, s2  }
0x8d: {  	s2 =	sadd.s32 s2, s17  }
0x8e: {  	[smem:$0x3FC7] =	sst s2  }
0x8f: {  	_ = 	snop  }
0x90: {  	s2 =	sld [smem:$0x3FD0];
	(tm) =	ssettm $0x1  }
0x91: {  	s18 =	sld [smem:$0x3FFB];
	_ =	sdelay $0x3  }
0x92: {  	_ =	strace s18  }
0x93: {  	s3 =	sld [smem:$0x3FFC];
	_ =	sdelay $0x3  }
0x94: {  	_ =	strace s3  }
0x95: {  	s3 =	sld [smem:$0x3FFD];
	_ =	sdelay $0x3  }
0x96: {  	_ =	strace s3  }
0x97: {  	_ =	strace $0x8FFFFFFF  }
0x98: {  	s19 =	sld [smem:$0x3FDB];
	_ =	sdelay $0x1  }
0x99: {  	s4 =	simm.s32 $_scs_section_size  }
0x9a: {  	s5 =	simm.s32 $_size__tile_overlayer_lowered;
	s6 =	simm.s32 $_tile_overlayer_lowered  }
0x9b: {  	s22 =	simm.s32 $0x1BFF;
	s21 =	sshll.u32 s6, $0x1;
	s3 =	sadd.s32 s4, s19  }
0x9c: {  	s7 =	simm.s32 $0x0;
	s20 =	sshll.u32 s5, $0x1;
	s5 =	sadd.s32 s21, s3  }
0x9d: {  	[timem:s7], [sflag:s22] =	dma.local [hbm:s5], s20  }
0x9e: {  	_ =	swait.ge [sflag:s22], s20  }
0x9f: {  	s4 =	ssub.s32 $0x0, s20;
	[sflag:s22] =	ssyncset.done $0x0  }
0xa0: {  	[sflag:s22] =	ssyncadd.s32 s4;
	_ =	sdelay $0x1  }
0xa1: {  	s23 =	simm.s32 $0x1B8B  }
0xa2: {  	_ =	swait.ge [sflag:s23], $0x1  }
0xa3: {  	[sflag:s23] =	ssyncset.done $0x0  }
0xa4: {  	s25 =	simm.s32 $0x1B8E;
	s24 =	sld [smem:$0x3FFE];
	[sflag:s23] =	ssyncadd.s32 $0xFFFFFFFF  }
0xa5: {  	s26 =	simm.s32 $execute0_lowered;
	[smem:$0x3FD2] =	sst s25  }
0xa6: {  	s5 =	sshll.u32 s26, $0x1;
	_ =	strace $0x80000049;
	[dreg:$0x1] =	wrdreg $0xFFFFFFFF  }
0xa7: {  	s28 =	simm.s32 $_size_execute0_lowered;
	s3 =	sadd.s32 s3, s5;
	[dreg:$0x0] =	wrdreg $0x0  }
0xa8: {  	s5 =	sshll.u32 s28, $0x1;
	[dreg:$0x2] =	wrdreg s3  }
0xa9: {  	[dreg:$0x3] =	wrdreg s5  }
0xaa: {  	[dreg:$0x4] =	wrdreg $0xC0  }
0xab: {  	_ =	task [dreg:s7], $0x5FFFF  }
0xac: {  	[dreg:$0x1] =	wrdreg $0xFFFFFFFF  }
0xad: {  	[dreg:$0x0] =	wrdreg $0x60  }
0xae: {  	[dreg:$0x2] =	wrdreg s24  }
0xaf: {  	[dreg:$0x3] =	wrdreg s2  }
0xb0: {  	[dreg:$0x4] =	wrdreg $0x9  }
0xb1: {  	_ =	task.clear_ibuf [dreg:s7], $0x5FFFF;
	_ =	strace $0x90000049  }
0xb2: {  	s29 =	simm.s32 $0x9;
	_ =	strace $0x8000004B  }
0xb3: {  	_ =	swait.ge [sflag:s29], $0x1  }
0xb4: {  	[sflag:s29] =	ssyncadd.s32 $0xFFFFFFFF  }
0xb5: {  	_ =	strace $0x9000004B  }
0xb6: {  	_ =	sfence  }
0xb7: {  	s30 =	sld [smem:$0x0];
	_ =	sdelay $0x2  }
0xb8: {  	s31 =	sshll.u32 s1, $0xD;
	s1 =	sshrl.u32 s1, $0x2  }
0xb9: {  	s3 =	sand.u32 $0x4000, s31;
	s1 =	sadd.s32 s1, s30  }
0xba: {  	s0 =	sor.u32 s3, s0;
	s1 =	sshll.u32 s1, $0x11  }
0xbb: {  	s0 =	sor.u32 s1, s0  }
0xbc: {  	s0 =	sadd.s32 $0x8F2B, s0  }
0xbd: {  	[sflag:s0] =	ssyncadd.remote.s32 $0x1  }
0xbe: {  	_ =	sfence.sel $0xFFFF  }
0xbf: {  	[dreg:$0x0] =	wrdreg $0xFFFFFFFF;
	(pc) =	sbr.abs _section_cstart, $3  }
0xc0: {  	[dreg:$0x1] =	wrdreg $0xFFFFFFFF  }
0xc1: {  	_ =	task.clear_ibuf [dreg:s7], $0x2FFFF;
	_ =	strace $0x9FFFFFFF  }
0xc2: {  	(tm) =	ssettm $0x7FFFFFFF  }
0xc3: {  	_ =	shalt  }
tec
execute0_lowered:
.L_overlay_start_1:
0x0: {  	(tag) =	ssettag $0x1  }
0x1: {  	s8 =	rddreg [dreg:$0x0]  }
0x2: {  	s3 =	rddreg [dreg:$0x1]  }
0x3: {  	s2 =	srdreg.scid;
	s0 =	rddreg [dreg:$0x2]  }
0x4: {  	s1 =	stileid.u32;
	s7 =	simm.s32 $0x1;
	s6 =	sand.u32 $0x1, s2  }
0x5: {  	s2 =	simm.s32 $0x0;
	s4 =	sshll.u32 s1, $0xA;
	s5 =	sshll.u32 s6, $0x9  }
0x6: {  	[smem:$0x7FF] =	sst s2;
	s10 =	ssub.s32 $0x2, s6;
	s9 =	sor.u32 s5, s4  }
0x7: {  	_ =	strace $0x8000004A;
	s4 =	sadd.s32 s3, s9;
	s3 =	simm.s32 $0x2  }
0x8: {  	[tilespmem:s2], [sflag:$0x2] =	stream.linear.gather [hbm4b:s4+s2], $0x1000, $0x38;
	[tilespmem:$0x2000] =	vst v63  }
0x9: {  	s6 =	simm.s32 $0x1000;
	s11 =	sshrl.u32 s10, $0x1;
	_ =	swait.ge [sflag:s3], $0x1000  }
0xa: {  	s5 =	sadd.s32 $0xA00, s8;
	s31 =	ssub.s32 s10, s11;
	[sflag:s3] =	ssyncset.done $0x0  }
0xb: {  	s8 =	sadd.s32 s9, s8;
	s9 =	smax.u32 s31, $0x1;
	[sflag:s3] =	ssyncadd.s32 $0xFFFFF000  }
0xc: {  	[tilespmem:s6], [sflag:$0x1] =	stream.indirect.gather [hbm4b:s5+s6], $0x1, s2, s6, $0xb8;
	[tilespmem:$0x2000] =	vst v63  }
0xd: {  	p0 =	sne.s32 s9, $0x1;
	_ =	swait.ge [sflag:s7], $0x1000  }
.Ltmp0:
0xe: {  	[sflag:s7] =	ssyncset.done $0x0;
	(pc) =	sbr.rel @!p0 .LBB2_2-.Ltmp0, $4  }
0xf: {  	s8 =	sadd.s32 $0x400A00, s8;
	[sflag:s7] =	ssyncadd.s32 $0xFFFFF000  }
0x10: {  	[hbm4b:s8+s2] =	stream.linear.scatter [tilespmem:s6], [sflag:$0x2], $0x1000, $0x38;
	[tilespmem:$0x2000] =	vst v63  }
0x11: {  	_ =	swait.ge [sflag:s3], $0x1000  }
0x12: {  	s9 =	sadd.s32 $0xFFFFFFFF, s9;
	[sflag:s3] =	ssyncset.done $0x0  }
.LBB2_1:
0x13: {  	p0 =	sne.s32 s9, $0x1;
	s9 =	sadd.s32 $0xFFFFFFFF, s9;
	[sflag:s3] =	ssyncadd.s32 $0xFFFFF000  }
0x14: {  	[tilespmem:s2], [sflag:$0x2] =	stream.linear.gather [hbm4b:s4+s2], $0x1000, $0x38;
	[tilespmem:$0x2000] =	vst v63  }
0x15: {  	_ =	swait.ge [sflag:s3], $0x1000  }
0x16: {  	[sflag:s3] =	ssyncset.done $0x0  }
0x17: {  	[sflag:s3] =	ssyncadd.s32 $0xFFFFF000  }
0x18: {  	[tilespmem:s6], [sflag:$0x1] =	stream.indirect.gather [hbm4b:s5+s6], $0x1, s2, s6, $0xb8;
	[tilespmem:$0x2000] =	vst v63  }
0x19: {  	_ =	swait.ge [sflag:s7], $0x1000  }
.Ltmp1:
0x1a: {  	[sflag:s7] =	ssyncset.done $0x0;
	(pc) =	sbr.rel @p0 .LBB2_1-.Ltmp1, $4  }
0x1b: {  	[sflag:s7] =	ssyncadd.s32 $0xFFFFF000  }
0x1c: {  	[hbm4b:s8+s2] =	stream.linear.scatter [tilespmem:s6], [sflag:$0x2], $0x1000, $0x38;
	[tilespmem:$0x2000] =	vst v63  }
0x1d: {  	_ =	swait.ge [sflag:s3], $0x1000  }
0x1e: {  	[sflag:s3] =	ssyncset.done $0x0  }
.LBB2_2:
0x1f: {  	[sflag:s3] =	ssyncadd.s32 $0xFFFFF000  }
0x20: {  	_ =	sfence.sel $0x180000  }
0x21: {  	[bflag:$0x0] =	sbarrier.arrive $0xFFFF  }
0x22: {  	p0 =	sne.s32 s1, $0x0;
	_ =	strace $0x9000004A  }
0x23: {  	s0 =	sadd.s32 @!p0 $0x100000, s0;
	[bflag:$0x2] =	sbarrier.arrive $0xFFFF  }
0x24: {  	[sflag:s0] =	ssyncadd.tile.s32 @!p0 $0x1;
	_ =	shalt  }
.Lfunc_end2:
_tile_overlayer_lowered:
.L_overlay_start_2:
0x25: {  	(tag) =	ssettag $0x2  }
0x26: {  	s0 =	rddreg [dreg:$0x0];
	s2 =	stileid.u32  }
0x27: {  	s1 =	rddreg [dreg:$0x1];
	p0 =	sne.s32 s2, $0x0  }
0x28: {  	s3 =	rddreg [dreg:$0x2];
	[bflag:$0x3] =	sbarrier.arrive $0xFFFF;
	s2 =	simm.s32 @!p0 $0x1C02  }
0x29: {  	[timem:s3], [sflag:s2] =	dma.local @!p0 [hbm:s0], s1  }
0x2a: {  	s0 =	simm.s32 @!p0 $0x2  }
0x2b: {  	_ =	swait.ge @!p0 [sflag:s0], s1  }
0x2c: {  	s1 =	ssub.s32 @!p0 $0x0, s1;
	[sflag:s0] =	ssyncset.done @!p0 $0x0  }
0x2d: {  	[sflag:s0] =	ssyncadd.s32 @!p0 s1  }
0x2e: {  	[bflag:$0x3] =	sbarrier.arrive $0xFFFF  }
0x2f: {  	_ =	shalt  }

// kernel: sparse-core-data-format-call.cloned.1.call-start
scs
called_computation_lowered:
.L_overlay_start_0:
0x0: {  	s2 =	sld [smem:$0x3FD9]  }
0x1: {  	s3 =	sld [smem:$0x3FFE];
	_ =	sdelay $0x1  }
0x2: {  	s1 =	srdreg.scid  }
0x3: {  	s0 =	sand.u32 $0x1, s1  }
0x4: {  	s18 =	sshll.u32 s0, $0xA;
	s2 =	sadd.s32 s3, s2  }
0x5: {  	s2 =	sadd.s32 s2, s18  }
0x6: {  	[smem:$0x3FC7] =	sst s2  }
0x7: {  	_ = 	snop  }
0x8: {  	s2 =	sld [smem:$0x3FC9];
	(tm) =	ssettm $0x1  }
0x9: {  	s19 =	sld [smem:$0x3FFB];
	_ =	sdelay $0x3  }
0xa: {  	_ =	strace s19  }
0xb: {  	s3 =	sld [smem:$0x3FFC];
	_ =	sdelay $0x3  }
0xc: {  	_ =	strace s3  }
0xd: {  	s3 =	sld [smem:$0x3FFD];
	_ =	sdelay $0x3  }
0xe: {  	_ =	strace s3  }
0xf: {  	_ =	strace $0x8FFFFFFF  }
0x10: {  	s20 =	sld [smem:$0x3FDB];
	_ =	sdelay $0x1  }
0x11: {  	s4 =	simm.s32 $_scs_section_size  }
0x12: {  	s5 =	simm.s32 $_size__tile_overlayer_lowered;
	s6 =	simm.s32 $_tile_overlayer_lowered  }
0x13: {  	s23 =	simm.s32 $0x1BFF;
	s22 =	sshll.u32 s6, $0x1;
	s3 =	sadd.s32 s4, s20  }
0x14: {  	s7 =	simm.s32 $0x0;
	s21 =	sshll.u32 s5, $0x1;
	s5 =	sadd.s32 s22, s3  }
0x15: {  	[timem:s7], [sflag:s23] =	dma.local [hbm:s5], s21  }
0x16: {  	_ =	swait.ge [sflag:s23], s21  }
0x17: {  	s4 =	ssub.s32 $0x0, s21;
	[sflag:s23] =	ssyncset.done $0x0  }
0x18: {  	[sflag:s23] =	ssyncadd.s32 s4;
	_ =	sdelay $0x1  }
0x19: {  	s24 =	simm.s32 $0x1B8B  }
0x1a: {  	_ =	swait.ge [sflag:s24], $0x1  }
0x1b: {  	[sflag:s24] =	ssyncset.done $0x0  }
0x1c: {  	s26 =	simm.s32 $0x1B8E;
	s25 =	sld [smem:$0x3FFE];
	[sflag:s24] =	ssyncadd.s32 $0xFFFFFFFF  }
0x1d: {  	s27 =	simm.s32 $execute0_lowered;
	[smem:$0x3FD2] =	sst s26  }
0x1e: {  	s5 =	sshll.u32 s27, $0x1;
	_ =	strace $0x80000046;
	[dreg:$0x1] =	wrdreg $0xFFFFFFFF  }
0x1f: {  	s28 =	simm.s32 $_size_execute0_lowered;
	s3 =	sadd.s32 s3, s5;
	[dreg:$0x0] =	wrdreg $0x0  }
0x20: {  	s5 =	sshll.u32 s28, $0x1;
	[dreg:$0x2] =	wrdreg s3  }
0x21: {  	[dreg:$0x3] =	wrdreg s5  }
0x22: {  	[dreg:$0x4] =	wrdreg $0xC0  }
0x23: {  	_ =	task [dreg:s7], $0x5FFFF  }
0x24: {  	[dreg:$0x1] =	wrdreg $0xFFFFFFFF  }
0x25: {  	[dreg:$0x0] =	wrdreg $0x60  }
0x26: {  	[dreg:$0x2] =	wrdreg s2  }
0x27: {  	[dreg:$0x3] =	wrdreg s25  }
0x28: {  	[dreg:$0x4] =	wrdreg $0x9  }
0x29: {  	_ =	task.clear_ibuf [dreg:s7], $0x5FFFF;
	_ =	strace $0x90000046  }
0x2a: {  	s29 =	simm.s32 $0x9;
	_ =	strace $0x80000048  }
0x2b: {  	_ =	swait.ge [sflag:s29], $0x1  }
0x2c: {  	[sflag:s29] =	ssyncadd.s32 $0xFFFFFFFF  }
0x2d: {  	_ =	strace $0x90000048  }
0x2e: {  	_ =	sfence  }
0x2f: {  	s30 =	sld [smem:$0x0];
	_ =	sdelay $0x2  }
0x30: {  	s31 =	sshll.u32 s1, $0xD;
	s1 =	sshrl.u32 s1, $0x2  }
0x31: {  	s3 =	sand.u32 $0x4000, s31;
	s1 =	sadd.s32 s1, s30  }
0x32: {  	s0 =	sor.u32 s3, s0;
	s1 =	sshll.u32 s1, $0x11  }
0x33: {  	s0 =	sor.u32 s1, s0  }
0x34: {  	s0 =	sadd.s32 $0x8F2B, s0  }
0x35: {  	[sflag:s0] =	ssyncadd.remote.s32 $0x1  }
0x36: {  	_ =	sfence.sel $0xFFFF  }
0x37: {  	[dreg:$0x0] =	wrdreg $0xFFFFFFFF;
	(pc) =	sbr.abs _section_cstart, $3  }
0x38: {  	[dreg:$0x1] =	wrdreg $0xFFFFFFFF  }
0x39: {  	_ =	task.clear_ibuf [dreg:s7], $0x2FFFF;
	_ =	strace $0x9FFFFFFF  }
0x3a: {  	(tm) =	ssettm $0x7FFFFFFF  }
0x3b: {  	_ =	shalt  }
tec
execute0_lowered:
.L_overlay_start_1:
0x0: {  	(tag) =	ssettag $0x1  }
0x1: {  	s2 =	rddreg [dreg:$0x0]  }
0x2: {  	s1 =	rddreg [dreg:$0x1]  }
0x3: {  	s0 =	rddreg [dreg:$0x2];
	_ =	strace $0x80000047;
	s4 =	srdreg.scid  }
0x4: {  	s6 =	simm.s32 $0x2;
	s11 =	simm.s32 $0x0;
	p0 =	por $0x0, $0x0  }
.Ltmp0:
0x5: {  	s7 =	simm.s32 $0x2000;
	s12 =	simm.s32 $0x0;
	(pc) =	sbr.rel .LBB1_1-.Ltmp0, $4  }
0x6: {  	s9 =	simm.s32 $0x0;
	s3 =	sadd.s32 $0xA00, s1;
	s5 =	sshll.u32 s4, $0x4  }
0x7: {  	s1 =	stileid.u32;
	s4 =	simm.s32 $0x1;
	s5 =	sand.u32 $0x10, s5  }
0x8: {  	s8 =	simm.s32 $0x0;
	[sflag:s4] =	ssyncpa.u1 $0x0;
	s5 =	sor.u32 s1, s5  }
0x9: {  	[sflag:s6] =	ssyncpa.u1 $0x0;
	s6 =	simm.s32 $0x800;
	s10 =	smov.u32 s5  }
.LBB1_7:
0xa: {  	s13 =	sadd.s32 $0x10, s9  }
0xb: {  	s11 =	sadd.s32 $0x20, s10;
	s15 =	smov.u32 s10;
	p2 =	sgt.s32 s13, $0x3F  }
0xc: {  	p1 =	slt.u32 s8, $0x2;
	s15 =	smov.u32 @p2 s11  }
0xd: {  	s8 =	sadd.s32 $0x1, s8;
	s13 =	simm.s32 @p2 $0x0;
	p2 =	sgt.s32 s15, $0x1FF  }
0xe: {  	s15 =	smov.u32 @p2 s5;
	p2 =	sne.s32 s8, $0x42  }
.Ltmp1:
0xf: {  	_ = 	snop;
	(pc) =	sbr.rel @!p2 .LBB1_8-.Ltmp1, $4  }
0x10: {  	s14 =	simm.s32 @!p1 $0x2  }
0x11: {  	s12 =	smov.u32 s10;
	_ =	swait.ge @!p1 [sflag:s14], $0x4000  }
0x12: {  	p0 =	por !p0, !p0;
	s11 =	smov.u32 s9;
	[sflag:s14] =	ssyncset.done @!p1 $0x0  }
0x13: {  	s9 =	smov.u32 s13;
	[sflag:s14] =	ssyncadd.s32 @!p1 $0xFFFFC000;
	s10 =	smov.u32 s15  }
.LBB1_1:
0x14: {  	p1 =	sgt.u32 s8, $0x3F  }
0x15: {  	s13 =	sxor.u32 @!p1 $0xFFFFFFFF, s8;
	s14 =	sshll.u32 @!p1 s10, $0xD  }
0x16: {  	s15 =	sshll.u32 @!p1 s9, $0x7;
	s13 =	sshll.u32 @!p1 s13, $0xE;
	s14 =	sadd.s32 @!p1 s2, s14  }
0x17: {  	s13 =	sand.u32 @!p1 $0x4000, s13;
	s14 =	sadd.s32 @!p1 s15, s14;
	s15 =	simm.s32 @!p1 $0x0  }
0x18: {  	[tilespmem:s13], [sflag:$0x1] =	stream.linear.gather @!p1 [hbm4b:s14+s15], $0x4000, $0x38;
	[tilespmem:$0x10000] =	vst v63  }
0x19: {  	p1 =	seq.s32 s8, $0x0  }
0x1a: {  	p2 =	seq.s32 @!p1 s8, $0x41  }
0x1b: {  	p1 =	por p1, p2  }
.Ltmp2:
0x1c: {  	_ = 	snop;
	(pc) =	sbr.rel @p1 .LBB1_7-.Ltmp2, $1  }
0x1d: {  	_ =	sdelay $0x3  }
0x1e: {  	s13 =	simm.s32 $0x1;
	_ =	swait.ge [sflag:s4], $0x4000;
	s16 =	sshll.u32 s8, $0xE  }
0x1f: {  	s13 =	simm.s32 @!p0 $0x0;
	[sflag:s4] =	ssyncset.done $0x0;
	s31 =	sand.u32 $0x4000, s16  }
0x20: {  	s16 =	simm.s32 $0x0;
	s14 =	sshll.u32 s13, $0xE;
	[sflag:s4] =	ssyncadd.s32 $0xFFFFC000  }
0x21: {  	s13 =	sor.u32 $0x8040, s14;
	s15 =	sor.u32 $0x40, s14;
	s14 =	sor.u32 $0x8000, s31  }
.LBB1_3:
0x22: {  	v0 =	vmov s15;
	_ =	sdelay $0x3  }
0x23: {  	s18 =	simm.s32 $0x0  }
0x24: {  	v6 =	vld.idx.msk [tilespmem:v0+s18+$0x30 ss:$0x1], $0xffff  }
0x25: {  	v7 =	vld.idx.msk [tilespmem:v0+s18+$0xFFFFFFC0 ss:$0x1], $0xffff  }
0x26: {  	v5 =	vld.idx.msk [tilespmem:v0+s18+$0xFFFFFFD0 ss:$0x1], $0xffff  }
0x27: {  	v4 =	vld.idx.msk [tilespmem:v0+s18+$0xFFFFFFE0 ss:$0x1], $0xffff  }
0x28: {  	v3 =	vld.idx.msk [tilespmem:v0+s18+$0xFFFFFFF0 ss:$0x1], $0xffff  }
0x29: {  	v1 =	vld.idx.msk [tilespmem:v0+s18+$0x0 ss:$0x1], $0xffff  }
0x2a: {  	v2 =	vld.idx.msk [tilespmem:v0+s18+$0x10 ss:$0x1], $0xffff;
	[tilespmem:s13+$0x30] =	vst v6  }
0x2b: {  	s17 =	simm.s32 $0x80;
	s19 =	simm.s32 $0x400;
	[tilespmem:s13+$0xFFFFFFC0] =	vst v7;
	v6 =	vld.idx.msk [tilespmem:v0+s18+$0x20 ss:$0x1], $0xffff;
	s18 =	smov.u32 s13  }
.LBB1_4:
0x2c: {  	p1 =	sne.s32 s19, $0xE00;
	v7 =	vld.idx.msk [tilespmem:v0+s17+$0x30 ss:$0x1], $0xffff;
	[tilespmem:s18+$0xFFFFFFD0] =	vst v5  }
0x2d: {  	v8 =	vld.idx.msk [tilespmem:v0+s17+$0xFFFFFFC0 ss:$0x1], $0xffff;
	[tilespmem:s18+$0xFFFFFFE0] =	vst v4  }
0x2e: {  	v5 =	vld.idx.msk [tilespmem:v0+s17+$0xFFFFFFD0 ss:$0x1], $0xffff;
	[tilespmem:s18+$0xFFFFFFF0] =	vst v3  }
.Ltmp3:
0x2f: {  	v4 =	vld.idx.msk [tilespmem:v0+s17+$0xFFFFFFE0 ss:$0x1], $0xffff;
	[tilespmem:s18+$0x0] =	vst v1;
	(pc) =	sbr.rel @p1 .LBB1_4-.Ltmp3, $4  }
0x30: {  	v3 =	vld.idx.msk [tilespmem:v0+s17+$0xFFFFFFF0 ss:$0x1], $0xffff;
	[tilespmem:s18+$0x10] =	vst v2  }
0x31: {  	v1 =	vld.idx.msk [tilespmem:v0+s17+$0x0 ss:$0x1], $0xffff;
	[tilespmem:s18+$0x20] =	vst v6;
	s18 =	sadd.s32 $0x800, s18  }
0x32: {  	v2 =	vld.idx.msk [tilespmem:v0+s17+$0x10 ss:$0x1], $0xffff;
	[tilespmem:s18+$0x30] =	vst v7  }
0x33: {  	[tilespmem:s18+$0xFFFFFFC0] =	vst v8;
	v6 =	vld.idx.msk [tilespmem:v0+s17+$0x20 ss:$0x1], $0xffff;
	s17 =	sshra.s32 s19, $0x2;
	s19 =	sadd.s32 $0x200, s19  }
0x34: {  	_ =	sdelay $0x2  }
0x35: {  	[tilespmem:s18+$0xFFFFFFD0] =	vst v5  }
0x36: {  	v56 =	vld.idx.msk [tilespmem:v0+s17+$0x30 ss:$0x1], $0xffff;
	[tilespmem:s18+$0xFFFFFFE0] =	vst v4  }
0x37: {  	v57 =	vld.idx.msk [tilespmem:v0+s17+$0xFFFFFFC0 ss:$0x1], $0xffff;
	[tilespmem:s18+$0xFFFFFFF0] =	vst v3  }
0x38: {  	v58 =	vld.idx.msk [tilespmem:v0+s17+$0xFFFFFFD0 ss:$0x1], $0xffff;
	[tilespmem:s18+$0x0] =	vst v1  }
0x39: {  	v59 =	vld.idx.msk [tilespmem:v0+s17+$0xFFFFFFE0 ss:$0x1], $0xffff;
	[tilespmem:s18+$0x10] =	vst v2  }
0x3a: {  	v60 =	vld.idx.msk [tilespmem:v0+s17+$0xFFFFFFF0 ss:$0x1], $0xffff;
	s31 =	sadd.s32 $0x800, s18;
	[tilespmem:s18+$0x20] =	vst v6  }
0x3b: {  	v61 =	vld.idx.msk [tilespmem:v0+s17+$0x0 ss:$0x1], $0xffff;
	[tilespmem:s31+$0x30] =	vst v56  }
0x3c: {  	v62 =	vld.idx.msk [tilespmem:v0+s17+$0x10 ss:$0x1], $0xffff;
	s16 =	sadd.s32 $0x1, s16;
	[tilespmem:s31+$0xFFFFFFC0] =	vst v57  }
0x3d: {  	v63 =	vld.idx.msk [tilespmem:v0+s17+$0x20 ss:$0x1], $0xffff;
	p1 =	sne.s32 s16, $0x10;
	[tilespmem:s31+$0xFFFFFFD0] =	vst v58  }
.Ltmp4:
0x3e: {  	[tilespmem:s31+$0xFFFFFFE0] =	vst v59;
	(pc) =	sbr.rel @p1 .LBB1_3-.Ltmp4, $4  }
0x3f: {  	[tilespmem:s31+$0xFFFFFFF0] =	vst v60  }
0x40: {  	[tilespmem:s31+$0x0] =	vst v61  }
0x41: {  	[tilespmem:s31+$0x10] =	vst v62  }
0x42: {  	s13 =	sadd.s32 $0x80, s13;
	s15 =	sadd.s32 $0x400, s15;
	[tilespmem:s31+$0x20] =	vst v63  }
.Ltmp5:
0x43: {  	(pc) =	sbr.rel .LBB1_7-.Ltmp5, $4  }
0x44: {  	s12 =	sshll.u32 s12, $0xD;
	s11 =	sshll.u32 s11, $0x4  }
0x45: {  	s11 =	sand.u32 $0x3F0, s11;
	s12 =	sadd.s32 s3, s12  }
0x46: {  	s11 =	sadd.s32 s11, s12  }
0x47: {  	[hbm4b:s11+s6] =	stream.strided.scatter [tilespmem:s14], [sflag:$0x2], $0x4000, s7, s6, $0x38;
	[tilespmem:$0x10000] =	vst v63  }
.LBB1_8:
0x48: {  	_ =	sfence.sel $0x180000  }
0x49: {  	s2 =	simm.s32 $0x1;
	[bflag:$0x0] =	sbarrier.arrive $0xFFFF  }
0x4a: {  	s31 =	simm.s32 $0x2;
	[sflag:s2] =	ssyncpa.u1 $0x1  }
0x4b: {  	[sflag:s31] =	ssyncpa.u1 $0x1  }
0x4c: {  	p0 =	sne.s32 s1, $0x0;
	_ =	strace $0x90000047  }
0x4d: {  	s0 =	sadd.s32 @!p0 $0x100000, s0;
	[bflag:$0x2] =	sbarrier.arrive $0xFFFF  }
0x4e: {  	[sflag:s0] =	ssyncadd.tile.s32 @!p0 $0x1;
	_ =	shalt  }
.Lfunc_end1:
_tile_overlayer_lowered:
.L_overlay_start_2:
0x4f: {  	(tag) =	ssettag $0x2  }
0x50: {  	s0 =	rddreg [dreg:$0x0];
	s2 =	stileid.u32  }
0x51: {  	s1 =	rddreg [dreg:$0x1];
	p0 =	sne.s32 s2, $0x0  }
0x52: {  	s3 =	rddreg [dreg:$0x2];
	[bflag:$0x3] =	sbarrier.arrive $0xFFFF;
	s2 =	simm.s32 @!p0 $0x1C01  }
0x53: {  	[timem:s3], [sflag:s2] =	dma.local @!p0 [hbm:s0], s1  }
0x54: {  	s0 =	simm.s32 @!p0 $0x1  }
0x55: {  	_ =	swait.ge @!p0 [sflag:s0], s1  }
0x56: {  	s1 =	ssub.s32 @!p0 $0x0, s1;
	[sflag:s0] =	ssyncset.done @!p0 $0x0  }
0x57: {  	[sflag:s0] =	ssyncadd.s32 @!p0 s1  }
0x58: {  	[bflag:$0x3] =	sbarrier.arrive $0xFFFF  }
0x59: {  	_ =	shalt  }

</sc_bundles>
